<compile_context>
chip_gen: v7x
topology: tpu7x:2x2x1
jax: 0.10.2.dev20260603
libtpu: 0.0.44.dev20260713+nightly
codegen_flags: <defaults>
</compile_context>

<pallas_src>
import functools

import jax
import jax.numpy as jnp
from jax import lax
from jax.experimental import pallas as pl
from jax.experimental.pallas import tpu as pltpu
from jax.experimental.pallas import tpu_sc as plsc

N = 10000
E = 320000
NG = 8
NP = 10240
NC, NS, L = 2, 16, 16
NW = NC * NS
NPB = 313
EW = E // NW


def _wid():
    return lax.axis_index("s") * NC + lax.axis_index("c")


def _mesh():
    return plsc.VectorSubcoreMesh(core_axis_name="c", subcore_axis_name="s")


@functools.partial(jax.jit, static_argnames=("cin",))
def _sc_gather_combine(x, posp, src, dst, *, cin):
    G = 40
    NCH = EW // G
    CW = cin // L

    def body(x_hbm, P_hbm, src_hbm, dst_hbm, xi_hbm, dx_hbm, dq_hbm,
             idxS, idxD,
             bufS0, bufS1, bufD0, bufD1, bufPS0, bufPS1, bufPD0, bufPD1,
             semG0, semG1, semO0, semO1):
        SB, DB = [bufS0, bufS1], [bufD0, bufD1]
        PS, PD = [bufPS0, bufPS1], [bufPD0, bufPD1]
        SG, SO = [semG0, semG1], [semO0, semO1]
        w = _wid()
        base = w * EW
        pltpu.sync_copy(src_hbm.at[pl.ds(base, EW)], idxS)
        pltpu.sync_copy(dst_hbm.at[pl.ds(base, EW)], idxD)

        def fire(j, b):
            @pl.when(j < NCH)
            def _():
                off = j * G
                pltpu.async_copy(x_hbm.at[idxS.at[pl.ds(off, G)]], SB[b], SG[b])
                pltpu.async_copy(x_hbm.at[idxD.at[pl.ds(off, G)]], DB[b], SG[b])
                pltpu.async_copy(P_hbm.at[idxS.at[pl.ds(off, G)]], PS[b], SG[b])
                pltpu.async_copy(P_hbm.at[idxD.at[pl.ds(off, G)]], PD[b], SG[b])

        def wait_g(b):
            for buf in (SB[b], DB[b]):
                pltpu.make_async_copy(x_hbm.at[pl.ds(0, G)], buf, SG[b]).wait()
            for buf in (PS[b], PD[b]):
                pltpu.make_async_copy(P_hbm.at[pl.ds(0, G)], buf, SG[b]).wait()

        def wait_o(b):
            pltpu.make_async_copy(xi_hbm.at[pl.ds(0, G)], DB[b], SO[b]).wait()
            pltpu.make_async_copy(dx_hbm.at[pl.ds(0, G)], SB[b], SO[b]).wait()
            pltpu.make_async_copy(dq_hbm.at[pl.ds(0, G)], PS[b], SO[b]).wait()

        fire(0, 0)

        def pair(jp, carry):
            for b in (0, 1):
                j = 2 * jp + b

                @pl.when(j > 0)
                def _():
                    wait_o(1 - b)
                fire(j + 1, 1 - b)
                wait_g(b)
                pltpu.async_copy(DB[b], xi_hbm.at[pl.ds(base + j * G, G)],
                                 SO[b])

                def col(c, cc):
                    for r in range(G):
                        SB[b][r, pl.ds(c * L, L)] = (
                            SB[b][r, pl.ds(c * L, L)]
                            - DB[b][r, pl.ds(c * L, L)])
                    return cc
                lax.fori_loop(0, CW, col, 0)
                for r in range(G):
                    PS[b][r, :] = PS[b][r, :] - PD[b][r, :]
                pltpu.async_copy(SB[b], dx_hbm.at[pl.ds(base + j * G, G)],
                                 SO[b])
                pltpu.async_copy(PS[b], dq_hbm.at[pl.ds(base + j * G, G)],
                                 SO[b])
            return carry

        lax.fori_loop(0, NCH // 2, pair, 0)
        wait_o(1)

    f = pl.kernel(
        body,
        out_type=(jax.ShapeDtypeStruct((E, cin), jnp.float32),
                  jax.ShapeDtypeStruct((E, cin), jnp.float32),
                  jax.ShapeDtypeStruct((E, 16), jnp.float32)),
        mesh=_mesh(),
        compiler_params=pltpu.CompilerParams(use_tc_tiling_on_sc=False, needs_layout_passes=False),
        scratch_types=(
            [pltpu.VMEM((EW,), jnp.int32)] * 2
            + [pltpu.VMEM((G, cin), jnp.float32)] * 4
            + [pltpu.VMEM((G, 16), jnp.float32)] * 4
            + [pltpu.SemaphoreType.DMA] * 4
        ),
    )
    return f(x, posp, src, dst)


@jax.jit
def _sc_bucket_build(dst):
    DBLK = 3200
    NBLK = E // DBLK
    VPB = DBLK // L
    FB = 2048

    def body(dst_hbm, ids_hbm, rows_hbm, cnt_hbm,
             dstbuf, idbuf, rowbuf, cntv):
        lane = lax.iota(jnp.int32, L)
        w = _wid()
        lo = w * NPB

        def scan_block(jb, carry):
            pltpu.sync_copy(dst_hbm.at[pl.ds(jb * DBLK, DBLK)], dstbuf)

            def vstep(i, carry):
                pos, wr = carry
                d = dstbuf[pl.ds(i * L, L)]
                gid = jb * DBLK + i * L + lane
                m = (d >= lo) & (d < lo + NPB)
                mi = jnp.where(m, 1, 0).astype(jnp.int32)
                incl = jnp.cumsum(mi)
                slot = pos + incl - mi
                plsc.store_scatter(idbuf, [slot], gid, mask=m)
                plsc.store_scatter(rowbuf, [slot], d - lo, mask=m)
                pos = pos + lax.reduce_max(incl, axes=(0,))

                def flush(c):
                    p, wr = c
                    o8 = pl.multiple_of(w * E + wr, 8)
                    pltpu.sync_copy(idbuf.at[pl.ds(0, FB)],
                                    ids_hbm.at[pl.ds(o8, FB)])
                    pltpu.sync_copy(rowbuf.at[pl.ds(0, FB)],
                                    rows_hbm.at[pl.ds(o8, FB)])
                    tid = idbuf[pl.ds(FB, L)]
                    trw = rowbuf[pl.ds(FB, L)]
                    idbuf[pl.ds(0, L)] = tid
                    rowbuf[pl.ds(0, L)] = trw
                    return (p - FB, wr + FB)

                return lax.cond(pos >= FB, flush, lambda c: c, (pos, wr))

            return lax.fori_loop(0, VPB, vstep, carry)

        pos, wr = lax.fori_loop(0, NBLK, scan_block,
                                (jnp.int32(0), jnp.int32(0)))
        idbuf[pl.ds(pos, L)] = jnp.zeros((L,), jnp.int32)
        rowbuf[pl.ds(pos, L)] = jnp.full((L,), NPB, jnp.int32)
        pc = ((pos + L - 1) // L) * L

        def tail(j, c):
            o8 = pl.multiple_of(w * E + wr + 8 * j, 8)
            pltpu.sync_copy(idbuf.at[pl.ds(pl.multiple_of(8 * j, 8), 8)],
                            ids_hbm.at[pl.ds(o8, 8)])
            pltpu.sync_copy(rowbuf.at[pl.ds(pl.multiple_of(8 * j, 8), 8)],
                            rows_hbm.at[pl.ds(o8, 8)])
            return c
        lax.fori_loop(0, pc // 8, tail, 0)
        cntv[...] = jnp.zeros((L,), jnp.int32) + (wr + pc)
        pltpu.sync_copy(cntv, cnt_hbm.at[w])

    f = pl.kernel(
        body,
        out_type=(jax.ShapeDtypeStruct((NW * E + 2048,), jnp.int32),
                  jax.ShapeDtypeStruct((NW * E + 2048,), jnp.int32),
                  jax.ShapeDtypeStruct((NW, L), jnp.int32)),
        mesh=_mesh(),
        compiler_params=pltpu.CompilerParams(use_tc_tiling_on_sc=False, needs_layout_passes=False),
        scratch_types=[
            pltpu.VMEM((DBLK,), jnp.int32),
            pltpu.VMEM((FB + 32,), jnp.int32),
            pltpu.VMEM((FB + 32,), jnp.int32),
            pltpu.VMEM((L,), jnp.int32),
        ],
    )
    return f(dst)


@functools.partial(jax.jit, static_argnames=("ch",))
def _sc_scatter_max(h2, bkt, *, ch):
    TROWS = NPB + 1
    CW = ch // L
    FB = 2048

    def body(h2_hbm, ids_hbm, rows_hbm, cnt_hbm, out_hbm,
             idbuf, rowbuf, tab, gbuf0, gbuf1, cntv, semD0, semD1):
        GB, SD = [gbuf0, gbuf1], [semD0, semD1]
        lane = lax.iota(jnp.int32, L)
        w = _wid()
        lo = w * NPB

        def zero(i, c):
            tab[pl.ds(i * L, L)] = jnp.zeros((L,), jnp.float32)
            return c
        lax.fori_loop(0, TROWS * ch // L, zero, 0)

        @pl.when(w == 0)
        def _():
            pltpu.sync_copy(tab.at[pl.ds(0, (NP - NW * NPB) * ch)],
                            out_hbm.at[pl.ds(NW * NPB * ch, (NP - NW * NPB) * ch)])

        pltpu.sync_copy(cnt_hbm.at[w], cntv)
        cnt = lax.reduce_max(cntv[...], axes=(0,))
        n16 = cnt // L
        nblk = (n16 + (FB // L) - 1) // (FB // L)

        def block(jb, c):
            o8 = pl.multiple_of(w * E + jb * FB, 8)
            pltpu.sync_copy(ids_hbm.at[pl.ds(o8, FB)], idbuf)
            pltpu.sync_copy(rows_hbm.at[pl.ds(o8, FB)], rowbuf)
            ng = jnp.minimum(FB // L, n16 - jb * (FB // L))

            def fire(g, b):
                @pl.when(g < ng)
                def _():
                    pltpu.async_copy(h2_hbm.at[idbuf.at[pl.ds(g * L, L)]],
                                     GB[b], SD[b])

            fire(0, 0)

            def one(g, c2):
                for b in (0, 1):
                    @pl.when(g % 2 == b)
                    def _():
                        fire(g + 1, 1 - b)
                        pltpu.make_async_copy(
                            h2_hbm.at[pl.ds(0, L)], GB[b], SD[b]).wait()
                        rows = rowbuf[pl.ds(g * L, L)]
                        for r in range(L):
                            lrow = lax.reduce_max(
                                jnp.where(lane == r, rows, 0), axes=(0,))
                            for c3 in range(CW):
                                o = lrow * ch + c3 * L
                                tab[pl.ds(o, L)] = jnp.maximum(
                                    tab[pl.ds(o, L)],
                                    GB[b][r, pl.ds(c3 * L, L)])
                return c2
            lax.fori_loop(0, ng, one, 0)
            return c

        lax.fori_loop(0, nblk, block, 0)
        pltpu.sync_copy(tab.at[pl.ds(0, NPB * ch)],
                        out_hbm.at[pl.ds(lo * ch, NPB * ch)])

    f = pl.kernel(
        body,
        out_type=jax.ShapeDtypeStruct((NP * ch,), jnp.float32),
        mesh=_mesh(),
        compiler_params=pltpu.CompilerParams(use_tc_tiling_on_sc=False, needs_layout_passes=False),
        scratch_types=[
            pltpu.VMEM((FB,), jnp.int32),
            pltpu.VMEM((FB,), jnp.int32),
            pltpu.VMEM((TROWS * ch,), jnp.float32),
            pltpu.VMEM((L, ch), jnp.float32),
            pltpu.VMEM((L, ch), jnp.float32),
            pltpu.VMEM((L,), jnp.int32),
            pltpu.SemaphoreType.DMA,
            pltpu.SemaphoreType.DMA,
        ],
    )
    ids, rows, counts = bkt
    return f(h2, ids, rows, counts).reshape(NP, ch)


@functools.partial(jax.jit, static_argnames=("relu", "exact"))
def _tc_matmul(X, W, b, *, relu, exact=False):
    M, K = X.shape
    Nc = W.shape[1]
    BM = 256
    BN = min(Nc, 512)
    prec = jax.lax.Precision.HIGHEST if exact else None

    def body(x_ref, w_ref, b_ref, o_ref):
        y = jnp.dot(x_ref[...], w_ref[...],
                    preferred_element_type=jnp.float32, precision=prec) + b_ref[...]
        if relu:
            y = jnp.maximum(y, 0.0)
        o_ref[...] = y

    return pl.pallas_call(
        body,
        grid=(M // BM, Nc // BN),
        in_specs=[
            pl.BlockSpec((BM, K), lambda i, j: (i, 0)),
            pl.BlockSpec((K, BN), lambda i, j: (0, j)),
            pl.BlockSpec((1, BN), lambda i, j: (0, j)),
        ],
        out_specs=pl.BlockSpec((BM, BN), lambda i, j: (i, j)),
        out_shape=jax.ShapeDtypeStruct((M, Nc), jnp.float32),
    )(X, W, b)


@jax.jit
def _tc_edge_mlp(xi, dx, dpos, w1a, w1b, pw16, pb, wpf, w2, b1, b2):
    cin = xi.shape[1]
    ch = w2.shape[0]
    BM = 256

    def body(xi_ref, dx_ref, d_ref, w1a_ref, w1b_ref, pw_ref, pb_ref,
             wpf_ref, w2_ref, b1_ref, b2_ref, o_ref):
        dot = functools.partial(jnp.dot, preferred_element_type=jnp.float32)
        pf = jnp.maximum(dot(d_ref[...], pw_ref[...]) + pb_ref[...], 0.0)
        m1 = (dot(xi_ref[...], w1a_ref[...]) + dot(dx_ref[...], w1b_ref[...])
              + dot(pf, wpf_ref[...]) + b1_ref[...])
        h1 = jnp.maximum(m1, 0.0)
        o_ref[...] = jnp.maximum(
            dot(h1, w2_ref[...]) + b2_ref[...], 0.0)

    return pl.pallas_call(
        body,
        grid=(E // BM,),
        in_specs=[
            pl.BlockSpec((BM, cin), lambda i: (i, 0)),
            pl.BlockSpec((BM, cin), lambda i: (i, 0)),
            pl.BlockSpec((BM, 16), lambda i: (i, 0)),
            pl.BlockSpec((cin, ch), lambda i: (0, 0)),
            pl.BlockSpec((cin, ch), lambda i: (0, 0)),
            pl.BlockSpec((16, 16), lambda i: (0, 0)),
            pl.BlockSpec((1, 16), lambda i: (0, 0)),
            pl.BlockSpec((16, ch), lambda i: (0, 0)),
            pl.BlockSpec((ch, ch), lambda i: (0, 0)),
            pl.BlockSpec((1, ch), lambda i: (0, 0)),
            pl.BlockSpec((1, ch), lambda i: (0, 0)),
        ],
        out_specs=pl.BlockSpec((BM, ch), lambda i: (i, 0)),
        out_shape=jax.ShapeDtypeStruct((E, ch), jnp.float32),
    )(xi, dx, dpos, w1a, w1b, pw16, pb, wpf, w2, b1, b2)


@jax.jit
def _tc_pool(x4, oh):
    BM = 256
    D = x4.shape[1]

    def body(x_ref, oh_ref, o_ref):
        @pl.when(pl.program_id(0) == 0)
        def _():
            o_ref[...] = jnp.zeros_like(o_ref)
        x = x_ref[...]
        for g in range(NG):
            cand = x * oh_ref[:, g:g + 1]
            o_ref[g:g + 1, :] = jnp.maximum(
                o_ref[g:g + 1, :], jnp.max(cand, axis=0, keepdims=True))

    return pl.pallas_call(
        body,
        grid=(NP // BM,),
        in_specs=[
            pl.BlockSpec((BM, D), lambda i: (i, 0)),
            pl.BlockSpec((BM, NG), lambda i: (i, 0)),
        ],
        out_specs=pl.BlockSpec((NG, D), lambda i: (0, 0)),
        out_shape=jax.ShapeDtypeStruct((NG, D), jnp.float32),
    )(x4, oh)


def _pad_rows(a, rows):
    return jnp.pad(a, ((0, rows - a.shape[0]), (0, 0)))


def _conv(x, ch, p, gath, bkt):
    cin = x.shape[1]
    (w1, b1), (w2, b2) = p["msg"]
    pw, pb = p["pos"]
    w_xi, w_dx, w_pf = w1[:cin], w1[cin:2 * cin], w1[2 * cin:]
    pw16 = jnp.pad(pw, ((0, 13), (0, 0)))
    xi, dx, dpos = gath
    h2 = _tc_edge_mlp(xi, dx, dpos, w_xi, w_dx, pw16, pb[None, :], w_pf,
                      w2, b1[None, :], b2[None, :])
    return _sc_scatter_max(h2, bkt, ch=ch)


def _gcu(x, cout, p, ei_t, ei_g, posp, bkt_t, bkt_g):
    cin = x.shape[1]
    g_t = _sc_gather_combine(x, posp, ei_t[0], ei_t[1], cin=cin)
    g_g = _sc_gather_combine(x, posp, ei_g[0], ei_g[1], cin=cin)
    a = _conv(x, cout // 2, p["tpl"], g_t, bkt_t)
    b = _conv(x, cout // 2, p["geo"], g_g, bkt_g)
    wm, bm = p["mlp"][0]
    return _tc_matmul(jnp.concatenate([a, b], axis=1), wm, bm[None, :],
                      relu=True)


def kernel(pos, feature, tpl_edge_index, geo_edge_index, batch, params):
    posp = _pad_rows(jnp.pad(pos, ((0, 0), (0, 13))), NP)
    xf = _pad_rows(feature, NP)
    batchp = jnp.pad(batch, (0, NP - N), constant_values=NG)
    oh = (batchp[:, None] == jnp.arange(NG, dtype=jnp.int32)[None, :]
          ).astype(jnp.float32)

    bkt_t = _sc_bucket_build(tpl_edge_index[1])
    bkt_g = _sc_bucket_build(geo_edge_index[1])
    x1 = _gcu(xf, 64, params["gcu1"], tpl_edge_index, geo_edge_index, posp,
              bkt_t, bkt_g)
    x2 = _gcu(x1, 256, params["gcu2"], tpl_edge_index, geo_edge_index, posp,
              bkt_t, bkt_g)
    x3 = _gcu(x2, 512, params["gcu3"], tpl_edge_index, geo_edge_index, posp,
              bkt_t, bkt_g)

    wg, bg = params["glb"][0]
    x4 = _tc_matmul(jnp.concatenate([x1, x2, x3], axis=1), wg, bg[None, :],
                    relu=True)
    xg = _tc_pool(x4, oh)
    xgb = _tc_matmul(oh, xg, jnp.zeros((1, xg.shape[1]), jnp.float32),
                     relu=False, exact=True)

    x5 = jnp.concatenate([xgb, posp[:, :3], xf, x1, x2, x3], axis=1)
    x5 = jnp.pad(x5, ((0, 0), (0, 2048 - x5.shape[1])))
    (wt1, bt1), (wt2, bt2) = params["trans"]
    wt1p = jnp.pad(wt1, ((0, 2048 - wt1.shape[0]), (0, 0)))
    t1 = _tc_matmul(x5, wt1p, bt1[None, :], relu=True)
    t2 = _tc_matmul(t1, wt2, bt2[None, :], relu=True)
    wo, bo = params["trans_out"]
    wop = jnp.pad(wo, ((0, 0), (0, 128 - wo.shape[1])))
    bop = jnp.pad(bo, (0, 128 - bo.shape[0]))
    o = _tc_matmul(t2, wop, bop[None, :], relu=False)
    return o[:N, :3]

# --- scband reference (transcript-rebuilt; emitter-appended) ---
"""Pipeline reference for scband-gcnrig-43997644980905 (READ-ONLY COPY).

The authoritative reference and input builder live on the scoring server;
editing this copy changes nothing except your own understanding.
"""

import jax, jax.numpy as jnp
import numpy as np

N_NODES = 10000
N_EDGES = 320000
N_GRAPHS = 8
DIM_POS_FEAT = 16
CHN_FEATURE = 128
CHN_OUTPUT = 3

def _lin(key, din, dout):
    k1, _ = jax.random.split(key)
    W = jax.random.normal(k1, (din, dout), dtype=jnp.float32) * (1.0 / np.sqrt(din))
    b = jnp.zeros((dout,), dtype=jnp.float32)
    return (W, b)

def _make_params(key):
    keys = jax.random.split(key, 64)
    ctr = [0]
    def nxt():
        k = keys[ctr[0]]
        ctr[0] += 1
        return k
    def conv_p(cin, ch):
        return {"pos": _lin(nxt(), 3, DIM_POS_FEAT),
                "msg": [_lin(nxt(), 2 * cin + DIM_POS_FEAT, ch), _lin(nxt(), ch, ch)]}
    def gcu_p(cin, cout):
        return {"tpl": conv_p(cin, cout // 2), "geo": conv_p(cin, cout // 2),
                "mlp": [_lin(nxt(), cout, cout)]}
    return {
        "gcu1": gcu_p(CHN_FEATURE, 64),
        "gcu2": gcu_p(64, 256),
        "gcu3": gcu_p(256, 512),
        "glb": [_lin(nxt(), 64 + 256 + 512, 1024)],
        "trans": [_lin(nxt(), 1024 + 3 + CHN_FEATURE + 64 + 256 + 512, 1024), _lin(nxt(), 1024, 256)],
        "trans_out": _lin(nxt(), 256, CHN_OUTPUT),
    }

def _mlp(x, layers):
    for W, b in layers:
        x = jax.nn.relu(x @ W + b)
    return x

def _edge_conv(pos, x, edge_index, p, n):
    src = edge_index[0]
    dst = edge_index[1]
    x_i = x[dst]
    x_j = x[src]
    pw, pb = p["pos"]
    pos_feat = jax.nn.relu((pos[src] - pos[dst]) @ pw + pb)
    m = jnp.concatenate([x_i, x_j - x_i, pos_feat], axis=1)
    m = _mlp(m, p["msg"])
    out = jax.ops.segment_max(m, dst, num_segments=n)
    return jnp.where(jnp.isfinite(out), out, 0.0)

def _gcu(pos, x, tpl_ei, geo_ei, p, n):
    x_tpl = _edge_conv(pos, x, tpl_ei, p["tpl"], n)
    x_geo = _edge_conv(pos, x, geo_ei, p["geo"], n)
    return _mlp(jnp.concatenate([x_tpl, x_geo], axis=1), p["mlp"])

def _forward(pos, feature, tpl_edge_index, geo_edge_index, batch, params):
    n = pos.shape[0]
    x1 = _gcu(pos, feature, tpl_edge_index, geo_edge_index, params["gcu1"], n)
    x2 = _gcu(pos, x1, tpl_edge_index, geo_edge_index, params["gcu2"], n)
    x3 = _gcu(pos, x2, tpl_edge_index, geo_edge_index, params["gcu3"], n)
    x4 = _mlp(jnp.concatenate([x1, x2, x3], axis=1), params["glb"])
    xg = jax.ops.segment_max(x4, batch, num_segments=N_GRAPHS)
    xg = jnp.where(jnp.isfinite(xg), xg, 0.0)
    xg = xg[batch]
    x5 = jnp.concatenate([xg, pos, feature, x1, x2, x3], axis=1)
    h = _mlp(x5, params["trans"])
    W, b = params["trans_out"]
    return h @ W + b

def setup_inputs(seed: int = 0):
    key = jax.random.key(seed)
    ks = jax.random.split(key, 6)
    pos = jax.random.normal(ks[0], (N_NODES, 3), dtype=jnp.float32)
    feature = jax.random.normal(ks[1], (N_NODES, CHN_FEATURE), dtype=jnp.float32)
    tpl_edge_index = jax.random.randint(ks[2], (2, N_EDGES), 0, N_NODES, dtype=jnp.int32)
    geo_edge_index = jax.random.randint(ks[3], (2, N_EDGES), 0, N_NODES, dtype=jnp.int32)
    batch = jnp.sort(jax.random.randint(ks[4], (N_NODES,), 0, N_GRAPHS, dtype=jnp.int32))
    params = _make_params(ks[5])
    return {"pos": pos, "feature": feature, "tpl_edge_index": tpl_edge_index,
            "geo_edge_index": geo_edge_index, "batch": batch, "params": params}

def reference(pos, feature, tpl_edge_index, geo_edge_index, batch, params):
    return _forward(pos, feature, tpl_edge_index, geo_edge_index, batch, params)

if __name__ == "__main__":
    import jax
    _d = setup_inputs()
    print(jax.jit(kernel)(*tuple(_d.values())))

</pallas_src>

<mosaic_0001>
#map = affine_map<(d0, d1) -> (0)>
#map1 = affine_map<(d0, d1) -> (0, 0)>
module attributes {stable_mosaic.version = 14 : i64} {
  func.func @body(%arg0: i32, %arg1: i32, %arg2: memref<320000xi32, #tpu.memory_space<hbm>>, %arg3: memref<10242048xi32, #tpu.memory_space<hbm>>, %arg4: memref<10242048xi32, #tpu.memory_space<hbm>>, %arg5: memref<32x16xi32, #tpu.memory_space<hbm>>, %arg6: memref<3200xi32, #tpu.memory_space<vmem>>, %arg7: memref<2080xi32, #tpu.memory_space<vmem>>, %arg8: memref<2080xi32, #tpu.memory_space<vmem>>, %arg9: memref<16xi32, #tpu.memory_space<vmem>>) attributes {dimension_semantics = [#tpu.dimension_semantics<core_parallel>, #tpu.dimension_semantics<subcore_parallel>], iteration_bounds = array<i64: 2, 16>, scalar_prefetch = 0 : i64, scratch_operands = 4 : i64, tpu.core_type = #tpu.core_type<sc_vector_subcore>, window_params = [{transform_indices = #map}, {transform_indices = #map}, {transform_indices = #map}, {transform_indices = #map1}]} {
    %iota3A = tpu.iota {dimensions = array<i32: 0>} : vector<16xi32>
    %mul3A = arith.constant 2 : i32
    %mul3A_0 = arith.muli %arg1, %mul3A : i32
    %add3A = arith.addi %mul3A_0, %arg0 : i32
    %mul3A_1 = arith.constant 313 : i32
    %mul3A_2 = arith.muli %add3A, %mul3A_1 : i32
    %scan3A = arith.constant 0 : i32
    %scan3A_3 = arith.constant 0 : i32
    %scan3A_4 = arith.constant 0 : i32
    %scan3A_5 = arith.constant 100 : i32
    %scan3A_6 = arith.addi %scan3A_4, %scan3A_5 : i32
    %scan3A_7 = arith.constant 1 : i32
    %scan3A_8:2 = scf.for %scan3A_78 = %scan3A_4 to %scan3A_6 step %scan3A_7 iter_args(%scan3A_79 = %scan3A, %scan3A_80 = %scan3A_3) -> (i32, i32)  : i32 {
      %mul3A_81 = arith.constant 3200 : i32
      %mul3A_82 = arith.muli %scan3A_78, %mul3A_81 : i32
      "tpu.region"() ({
        %run_scoped3A = tpu.sem_alloc : memref<!tpu.dma_semaphore, #tpu.memory_space<semaphore_mem>>
        %dma_start3A = tpu.memref_slice %arg2[%mul3A_82] : memref<320000xi32, #tpu.memory_space<hbm>> -> memref<3200xi32, #tpu.memory_space<hbm>>
        %dma_start3A_89 = tpu.memref_slice %arg2[%mul3A_82] : memref<320000xi32, #tpu.memory_space<hbm>> -> memref<3200xi32, #tpu.memory_space<hbm>>
        tpu.enqueue_dma source(%dma_start3A_89 : memref<3200xi32, #tpu.memory_space<hbm>>) target(%arg6 : memref<3200xi32, #tpu.memory_space<vmem>>) target_semaphore(%run_scoped3A : memref<!tpu.dma_semaphore, #tpu.memory_space<semaphore_mem>>)
        %dma_wait3A = tpu.memref_slice %arg2[%mul3A_82] : memref<320000xi32, #tpu.memory_space<hbm>> -> memref<3200xi32, #tpu.memory_space<hbm>>
        %dma_wait3A_90 = tpu.memref_slice %arg2[%mul3A_82] : memref<320000xi32, #tpu.memory_space<hbm>> -> memref<3200xi32, #tpu.memory_space<hbm>>
        tpu.wait_dma2 semaphore(%run_scoped3A : memref<!tpu.dma_semaphore, #tpu.memory_space<semaphore_mem>>) src(%dma_wait3A_90 : memref<3200xi32, #tpu.memory_space<hbm>>) dst(%arg6 : memref<3200xi32, #tpu.memory_space<vmem>>)
        tpu.yield
      }) : () -> ()
      %scan3A_83 = arith.constant 0 : i32
      %scan3A_84 = arith.constant 200 : i32
      %scan3A_85 = arith.addi %scan3A_83, %scan3A_84 : i32
      %scan3A_86 = arith.constant 1 : i32
      %scan3A_87:2 = scf.for %scan3A_89 = %scan3A_83 to %scan3A_85 step %scan3A_86 iter_args(%scan3A_90 = %scan3A_79, %scan3A_91 = %scan3A_80) -> (i32, i32)  : i32 {
        %mul3A_92 = arith.constant 16 : i32
        %mul3A_93 = arith.muli %scan3A_89, %mul3A_92 : i32
        %get3A = arith.index_cast %mul3A_93 : i32 to index
        %get3A_94 = tpu.vector_load %arg6[%get3A] {strides = array<i32>} : memref<3200xi32, #tpu.memory_space<vmem>>, vector<16xi32>,
        %mul3A_95 = arith.constant 3200 : i32
        %mul3A_96 = arith.muli %scan3A_78, %mul3A_95 : i32
        %mul3A_97 = arith.constant 16 : i32
        %mul3A_98 = arith.muli %scan3A_89, %mul3A_97 : i32
        %add3A_99 = arith.addi %mul3A_96, %mul3A_98 : i32
        %add3A_100 = vector.broadcast %add3A_99 : i32 to vector<16xi32>
        %add3A_101 = arith.addi %add3A_100, %iota3A : vector<16xi32>
        %ge3A = vector.broadcast %mul3A_2 : i32 to vector<16xi32>
        %ge3A_102 = arith.cmpi sge, %get3A_94, %ge3A : vector<16xi32>
        %add3A_103 = arith.constant 313 : i32
        %add3A_104 = arith.addi %mul3A_2, %add3A_103 : i32
        %lt3A = vector.broadcast %add3A_104 : i32 to vector<16xi32>
        %lt3A_105 = arith.cmpi slt, %get3A_94, %lt3A : vector<16xi32>
        %and3A_106 = arith.andi %ge3A_102, %lt3A_105 : vector<16xi1>
        %jit3A_107 = arith.constant 1 : i32
        %jit3A_108 = arith.constant 0 : i32
        %broadcast_in_dim3A_109 = vector.broadcast %jit3A_107 : i32 to vector<16xi32>
        %broadcast_in_dim3A_110 = vector.broadcast %jit3A_108 : i32 to vector<16xi32>
        %select_n3A_111 = arith.select %and3A_106, %broadcast_in_dim3A_109, %broadcast_in_dim3A_110 : vector<16xi1>, vector<16xi32>
        %cumsum3A = arith.constant true
        %cumsum3A_112 = vector.broadcast %cumsum3A : i1 to vector<16xi1>
        %cumsum3A_113 = tpu.scan <sum>, %select_n3A_111 masked %cumsum3A_112 : vector<16xi32>, vector<16xi1> -> vector<16xi32>
        %add3A_114 = vector.broadcast %scan3A_90 : i32 to vector<16xi32>
        %add3A_115 = arith.addi %add3A_114, %cumsum3A_113 : vector<16xi32>
        %sub3A_116 = arith.subi %add3A_115, %select_n3A_111 : vector<16xi32>
        tpu.vector_store_idx %arg7[%sub3A_116], %add3A_101 masked %and3A_106 : memref<2080xi32, #tpu.memory_space<vmem>>[vector<16xi32>], vector<16xi32>, vector<16xi1>
        %sub3A_117 = vector.broadcast %mul3A_2 : i32 to vector<16xi32>
        %sub3A_118 = arith.subi %get3A_94, %sub3A_117 : vector<16xi32>
        tpu.vector_store_idx %arg8[%sub3A_116], %sub3A_118 masked %and3A_106 : memref<2080xi32, #tpu.memory_space<vmem>>[vector<16xi32>], vector<16xi32>, vector<16xi1>
        %reduce_max3A = arith.constant true
        %reduce_max3A_119 = vector.broadcast %reduce_max3A : i1 to vector<16xi1>
        %reduce_max3A_120 = arith.constant -2147483648 : i32
        %reduce_max3A_121 = vector.broadcast %reduce_max3A_120 : i32 to vector<16xi32>
        %reduce_max3A_122 = arith.xori %cumsum3A_113, %reduce_max3A_121 : vector<16xi32>
        %reduce_max3A_123 = tpu.scan <max>, %reduce_max3A_122 masked %reduce_max3A_119 : vector<16xi32>, vector<16xi1> -> vector<16xi32>
        %reduce_max3A_124 = arith.xori %reduce_max3A_123, %reduce_max3A_121 : vector<16xi32>
        %reduce_max3A_125 = vector.extract %reduce_max3A_124[15] : i32 from vector<16xi32>
        %add3A_126 = arith.addi %scan3A_90, %reduce_max3A_125 : i32
        %ge3A_127 = arith.constant 2048 : i32
        %ge3A_128 = arith.cmpi sge, %add3A_126, %ge3A_127 : i32
        %convert_element_type3A = arith.extui %ge3A_128 : i1 to i32
        %cond3A = arith.constant 0 : i32
        %cond3A_129 = arith.cmpi ne, %convert_element_type3A, %cond3A : i32
        %cond3A_130:2 = scf.if %cond3A_129 -> (i32, i32) {
          %mul3A_131 = arith.constant 320000 : i32
          %mul3A_132 = arith.muli %add3A, %mul3A_131 : i32
          %add3A_133 = arith.addi %mul3A_132, %scan3A_91 : i32
          %multiple_of3A = tpu.assume_multiple %add3A_133, 8 : i32
          "tpu.region"() ({
            %run_scoped3A = tpu.sem_alloc : memref<!tpu.dma_semaphore, #tpu.memory_space<semaphore_mem>>
            %dma_start3A = arith.constant 0 : i32
            %dma_start3A_146 = tpu.memref_slice %arg7[%dma_start3A] : memref<2080xi32, #tpu.memory_space<vmem>> -> memref<2048xi32, #tpu.memory_space<vmem>>
            %dma_start3A_147 = tpu.memref_slice %arg3[%multiple_of3A] : memref<10242048xi32, #tpu.memory_space<hbm>> -> memref<2048xi32, #tpu.memory_space<hbm>>
            %dma_start3A_148 = tpu.memref_slice %arg3[%multiple_of3A] : memref<10242048xi32, #tpu.memory_space<hbm>> -> memref<2048xi32, #tpu.memory_space<hbm>>
            %dma_start3A_149 = arith.constant 0 : i32
            %dma_start3A_150 = tpu.memref_slice %arg7[%dma_start3A_149] : memref<2080xi32, #tpu.memory_space<vmem>> -> memref<2048xi32, #tpu.memory_space<vmem>>
            tpu.enqueue_dma source(%dma_start3A_150 : memref<2048xi32, #tpu.memory_space<vmem>>) target(%dma_start3A_148 : memref<2048xi32, #tpu.memory_space<hbm>>) target_semaphore(%run_scoped3A : memref<!tpu.dma_semaphore, #tpu.memory_space<semaphore_mem>>)
            %dma_wait3A = arith.constant 0 : i32
            %dma_wait3A_151 = tpu.memref_slice %arg7[%dma_wait3A] : memref<2080xi32, #tpu.memory_space<vmem>> -> memref<2048xi32, #tpu.memory_space<vmem>>
            %dma_wait3A_152 = tpu.memref_slice %arg3[%multiple_of3A] : memref<10242048xi32, #tpu.memory_space<hbm>> -> memref<2048xi32, #tpu.memory_space<hbm>>
            %dma_wait3A_153 = tpu.memref_slice %arg3[%multiple_of3A] : memref<10242048xi32, #tpu.memory_space<hbm>> -> memref<2048xi32, #tpu.memory_space<hbm>>
            %dma_wait3A_154 = arith.constant 0 : i32
            %dma_wait3A_155 = tpu.memref_slice %arg7[%dma_wait3A_154] : memref<2080xi32, #tpu.memory_space<vmem>> -> memref<2048xi32, #tpu.memory_space<vmem>>
            tpu.wait_dma2 semaphore(%run_scoped3A : memref<!tpu.dma_semaphore, #tpu.memory_space<semaphore_mem>>) src(%dma_wait3A_155 : memref<2048xi32, #tpu.memory_space<vmem>>) dst(%dma_wait3A_153 : memref<2048xi32, #tpu.memory_space<hbm>>)
            tpu.yield
          }) : () -> ()
          "tpu.region"() ({
            %run_scoped3A = tpu.sem_alloc : memref<!tpu.dma_semaphore, #tpu.memory_space<semaphore_mem>>
            %dma_start3A = arith.constant 0 : i32
            %dma_start3A_146 = tpu.memref_slice %arg8[%dma_start3A] : memref<2080xi32, #tpu.memory_space<vmem>> -> memref<2048xi32, #tpu.memory_space<vmem>>
            %dma_start3A_147 = tpu.memref_slice %arg4[%multiple_of3A] : memref<10242048xi32, #tpu.memory_space<hbm>> -> memref<2048xi32, #tpu.memory_space<hbm>>
            %dma_start3A_148 = tpu.memref_slice %arg4[%multiple_of3A] : memref<10242048xi32, #tpu.memory_space<hbm>> -> memref<2048xi32, #tpu.memory_space<hbm>>
            %dma_start3A_149 = arith.constant 0 : i32
            %dma_start3A_150 = tpu.memref_slice %arg8[%dma_start3A_149] : memref<2080xi32, #tpu.memory_space<vmem>> -> memref<2048xi32, #tpu.memory_space<vmem>>
            tpu.enqueue_dma source(%dma_start3A_150 : memref<2048xi32, #tpu.memory_space<vmem>>) target(%dma_start3A_148 : memref<2048xi32, #tpu.memory_space<hbm>>) target_semaphore(%run_scoped3A : memref<!tpu.dma_semaphore, #tpu.memory_space<semaphore_mem>>)
            %dma_wait3A = arith.constant 0 : i32
            %dma_wait3A_151 = tpu.memref_slice %arg8[%dma_wait3A] : memref<2080xi32, #tpu.memory_space<vmem>> -> memref<2048xi32, #tpu.memory_space<vmem>>
            %dma_wait3A_152 = tpu.memref_slice %arg4[%multiple_of3A] : memref<10242048xi32, #tpu.memory_space<hbm>> -> memref<2048xi32, #tpu.memory_space<hbm>>
            %dma_wait3A_153 = tpu.memref_slice %arg4[%multiple_of3A] : memref<10242048xi32, #tpu.memory_space<hbm>> -> memref<2048xi32, #tpu.memory_space<hbm>>
            %dma_wait3A_154 = arith.constant 0 : i32
            %dma_wait3A_155 = tpu.memref_slice %arg8[%dma_wait3A_154] : memref<2080xi32, #tpu.memory_space<vmem>> -> memref<2048xi32, #tpu.memory_space<vmem>>
            tpu.wait_dma2 semaphore(%run_scoped3A : memref<!tpu.dma_semaphore, #tpu.memory_space<semaphore_mem>>) src(%dma_wait3A_155 : memref<2048xi32, #tpu.memory_space<vmem>>) dst(%dma_wait3A_153 : memref<2048xi32, #tpu.memory_space<hbm>>)
            tpu.yield
          }) : () -> ()
          %get3A_134 = arith.constant 2048 : index
          %get3A_135 = tpu.vector_load %arg7[%get3A_134] {strides = array<i32>} : memref<2080xi32, #tpu.memory_space<vmem>>, vector<16xi32>,
          %get3A_136 = arith.constant 2048 : index
          %get3A_137 = tpu.vector_load %arg8[%get3A_136] {strides = array<i32>} : memref<2080xi32, #tpu.memory_space<vmem>>, vector<16xi32>,
          %swap3A_138 = arith.constant 0 : index
          %swap3A_139 = tpu.vector_load %arg7[%swap3A_138] {strides = array<i32>} : memref<2080xi32, #tpu.memory_space<vmem>>, vector<16xi32>,
          tpu.vector_store %arg7[%swap3A_138], %get3A_135 {strides = array<i32>} : memref<2080xi32, #tpu.memory_space<vmem>>, vector<16xi32>,
          %swap3A_140 = arith.constant 0 : index
          %swap3A_141 = tpu.vector_load %arg8[%swap3A_140] {strides = array<i32>} : memref<2080xi32, #tpu.memory_space<vmem>>, vector<16xi32>,
          tpu.vector_store %arg8[%swap3A_140], %get3A_137 {strides = array<i32>} : memref<2080xi32, #tpu.memory_space<vmem>>, vector<16xi32>,
          %sub3A_142 = arith.constant 2048 : i32
          %sub3A_143 = arith.subi %add3A_126, %sub3A_142 : i32
          %add3A_144 = arith.constant 2048 : i32
          %add3A_145 = arith.addi %scan3A_91, %add3A_144 : i32
          scf.yield %sub3A_143, %add3A_145 : i32, i32
        } else {
          scf.yield %add3A_126, %scan3A_91 : i32, i32
        }
        scf.yield %cond3A_130#0, %cond3A_130#1 : i32, i32
      }
      %scan3A_88 = arith.constant 200 : i32
      scf.yield %scan3A_87#0, %scan3A_87#1 : i32, i32
    }
    %scan3A_9 = arith.constant 100 : i32
    %broadcast_in_dim3A = arith.constant 0 : i32
    %broadcast_in_dim3A_10 = vector.broadcast %broadcast_in_dim3A : i32 to vector<16xi32>
    %swap3A = arith.index_cast %scan3A_8#0 : i32 to index
    %swap3A_11 = tpu.vector_load %arg7[%swap3A] {strides = array<i32>} : memref<2080xi32, #tpu.memory_space<vmem>>, vector<16xi32>,
    tpu.vector_store %arg7[%swap3A], %broadcast_in_dim3A_10 {strides = array<i32>} : memref<2080xi32, #tpu.memory_space<vmem>>, vector<16xi32>,
    %broadcast_in_dim3A_12 = arith.constant 313 : i32
    %broadcast_in_dim3A_13 = vector.broadcast %broadcast_in_dim3A_12 : i32 to vector<16xi32>
    %swap3A_14 = arith.index_cast %scan3A_8#0 : i32 to index
    %swap3A_15 = tpu.vector_load %arg8[%swap3A_14] {strides = array<i32>} : memref<2080xi32, #tpu.memory_space<vmem>>, vector<16xi32>,
    tpu.vector_store %arg8[%swap3A_14], %broadcast_in_dim3A_13 {strides = array<i32>} : memref<2080xi32, #tpu.memory_space<vmem>>, vector<16xi32>,
    %add3A_16 = arith.constant 16 : i32
    %add3A_17 = arith.addi %scan3A_8#0, %add3A_16 : i32
    %sub3A = arith.constant 1 : i32
    %sub3A_18 = arith.subi %add3A_17, %sub3A : i32
    %jit3A = arith.constant 16 : i32
    %div3A = arith.divsi %sub3A_18, %jit3A : i32
    %sign3A = arith.constant 0 : i32
    %sign3A_19 = arith.cmpi sgt, %sub3A_18, %sign3A : i32
    %sign3A_20 = arith.extui %sign3A_19 : i1 to i32
    %sign3A_21 = arith.constant 0 : i32
    %sign3A_22 = arith.cmpi slt, %sub3A_18, %sign3A_21 : i32
    %sign3A_23 = arith.extui %sign3A_22 : i1 to i32
    %sign3A_24 = arith.subi %sign3A_20, %sign3A_23 : i32
    %sign3A_25 = arith.constant 0 : i32
    %sign3A_26 = arith.cmpi sgt, %jit3A, %sign3A_25 : i32
    %sign3A_27 = arith.extui %sign3A_26 : i1 to i32
    %sign3A_28 = arith.constant 0 : i32
    %sign3A_29 = arith.cmpi slt, %jit3A, %sign3A_28 : i32
    %sign3A_30 = arith.extui %sign3A_29 : i1 to i32
    %sign3A_31 = arith.subi %sign3A_27, %sign3A_30 : i32
    %ne3A = arith.cmpi ne, %sign3A_24, %sign3A_31 : i32
    %rem3A = arith.remsi %sub3A_18, %jit3A : i32
    %ne3A_32 = arith.constant 0 : i32
    %ne3A_33 = arith.cmpi ne, %rem3A, %ne3A_32 : i32
    %and3A = arith.andi %ne3A, %ne3A_33 : i1
    %sub3A_34 = arith.constant 1 : i32
    %sub3A_35 = arith.subi %div3A, %sub3A_34 : i32
    %select_n3A = arith.select %and3A, %sub3A_35, %div3A : i32
    %mul3A_36 = arith.constant 16 : i32
    %mul3A_37 = arith.muli %select_n3A, %mul3A_36 : i32
    %jit3A_38 = arith.constant 8 : i32
    %div3A_39 = arith.divsi %mul3A_37, %jit3A_38 : i32
    %sign3A_40 = arith.constant 0 : i32
    %sign3A_41 = arith.cmpi sgt, %mul3A_37, %sign3A_40 : i32
    %sign3A_42 = arith.extui %sign3A_41 : i1 to i32
    %sign3A_43 = arith.constant 0 : i32
    %sign3A_44 = arith.cmpi slt, %mul3A_37, %sign3A_43 : i32
    %sign3A_45 = arith.extui %sign3A_44 : i1 to i32
    %sign3A_46 = arith.subi %sign3A_42, %sign3A_45 : i32
    %sign3A_47 = arith.constant 0 : i32
    %sign3A_48 = arith.cmpi sgt, %jit3A_38, %sign3A_47 : i32
    %sign3A_49 = arith.extui %sign3A_48 : i1 to i32
    %sign3A_50 = arith.constant 0 : i32
    %sign3A_51 = arith.cmpi slt, %jit3A_38, %sign3A_50 : i32
    %sign3A_52 = arith.extui %sign3A_51 : i1 to i32
    %sign3A_53 = arith.subi %sign3A_49, %sign3A_52 : i32
    %ne3A_54 = arith.cmpi ne, %sign3A_46, %sign3A_53 : i32
    %rem3A_55 = arith.remsi %mul3A_37, %jit3A_38 : i32
    %ne3A_56 = arith.constant 0 : i32
    %ne3A_57 = arith.cmpi ne, %rem3A_55, %ne3A_56 : i32
    %and3A_58 = arith.andi %ne3A_54, %ne3A_57 : i1
    %sub3A_59 = arith.constant 1 : i32
    %sub3A_60 = arith.subi %div3A_39, %sub3A_59 : i32
    %select_n3A_61 = arith.select %and3A_58, %sub3A_60, %div3A_39 : i32
    %while3A = arith.constant 0 : i32
    %while3A_62 = arith.constant 0 : i32
    %while3A_63 = arith.subi %select_n3A_61, %while3A_62 : i32
    %while3A_64 = arith.addi %while3A_62, %while3A_63 : i32
    %while3A_65 = arith.constant 1 : i32
    %while3A_66 = arith.divsi %while3A_63, %while3A_65 : i32
    %while3A_67 = arith.muli %while3A_66, %while3A_65 : i32
    %while3A_68 = arith.addi %while3A_62, %while3A_67 : i32
    %while3A_69 = arith.constant 1 : i32
    scf.for %while3A_78 = %while3A_62 to %while3A_68 step %while3A_69  : i32 {
      %mul3A_79 = arith.constant 320000 : i32
      %mul3A_80 = arith.muli %add3A, %mul3A_79 : i32
      %add3A_81 = arith.addi %mul3A_80, %scan3A_8#1 : i32
      %mul3A_82 = arith.constant 8 : i32
      %mul3A_83 = arith.muli %mul3A_82, %while3A_78 : i32
      %add3A_84 = arith.addi %add3A_81, %mul3A_83 : i32
      %multiple_of3A = tpu.assume_multiple %add3A_84, 8 : i32
      %mul3A_85 = arith.constant 8 : i32
      %mul3A_86 = arith.muli %mul3A_85, %while3A_78 : i32
      %multiple_of3A_87 = tpu.assume_multiple %mul3A_86, 8 : i32
      "tpu.region"() ({
        %run_scoped3A = tpu.sem_alloc : memref<!tpu.dma_semaphore, #tpu.memory_space<semaphore_mem>>
        %dma_start3A = tpu.memref_slice %arg7[%multiple_of3A_87] : memref<2080xi32, #tpu.memory_space<vmem>> -> memref<8xi32, #tpu.memory_space<vmem>>
        %dma_start3A_91 = tpu.memref_slice %arg3[%multiple_of3A] : memref<10242048xi32, #tpu.memory_space<hbm>> -> memref<8xi32, #tpu.memory_space<hbm>>
        %dma_start3A_92 = tpu.memref_slice %arg3[%multiple_of3A] : memref<10242048xi32, #tpu.memory_space<hbm>> -> memref<8xi32, #tpu.memory_space<hbm>>
        %dma_start3A_93 = tpu.memref_slice %arg7[%multiple_of3A_87] : memref<2080xi32, #tpu.memory_space<vmem>> -> memref<8xi32, #tpu.memory_space<vmem>>
        tpu.enqueue_dma source(%dma_start3A_93 : memref<8xi32, #tpu.memory_space<vmem>>) target(%dma_start3A_92 : memref<8xi32, #tpu.memory_space<hbm>>) target_semaphore(%run_scoped3A : memref<!tpu.dma_semaphore, #tpu.memory_space<semaphore_mem>>)
        %dma_wait3A = tpu.memref_slice %arg7[%multiple_of3A_87] : memref<2080xi32, #tpu.memory_space<vmem>> -> memref<8xi32, #tpu.memory_space<vmem>>
        %dma_wait3A_94 = tpu.memref_slice %arg3[%multiple_of3A] : memref<10242048xi32, #tpu.memory_space<hbm>> -> memref<8xi32, #tpu.memory_space<hbm>>
        %dma_wait3A_95 = tpu.memref_slice %arg3[%multiple_of3A] : memref<10242048xi32, #tpu.memory_space<hbm>> -> memref<8xi32, #tpu.memory_space<hbm>>
        %dma_wait3A_96 = tpu.memref_slice %arg7[%multiple_of3A_87] : memref<2080xi32, #tpu.memory_space<vmem>> -> memref<8xi32, #tpu.memory_space<vmem>>
        tpu.wait_dma2 semaphore(%run_scoped3A : memref<!tpu.dma_semaphore, #tpu.memory_space<semaphore_mem>>) src(%dma_wait3A_96 : memref<8xi32, #tpu.memory_space<vmem>>) dst(%dma_wait3A_95 : memref<8xi32, #tpu.memory_space<hbm>>)
        tpu.yield
      }) : () -> ()
      %mul3A_88 = arith.constant 8 : i32
      %mul3A_89 = arith.muli %mul3A_88, %while3A_78 : i32
      %multiple_of3A_90 = tpu.assume_multiple %mul3A_89, 8 : i32
      "tpu.region"() ({
        %run_scoped3A = tpu.sem_alloc : memref<!tpu.dma_semaphore, #tpu.memory_space<semaphore_mem>>
        %dma_start3A = tpu.memref_slice %arg8[%multiple_of3A_90] : memref<2080xi32, #tpu.memory_space<vmem>> -> memref<8xi32, #tpu.memory_space<vmem>>
        %dma_start3A_91 = tpu.memref_slice %arg4[%multiple_of3A] : memref<10242048xi32, #tpu.memory_space<hbm>> -> memref<8xi32, #tpu.memory_space<hbm>>
        %dma_start3A_92 = tpu.memref_slice %arg4[%multiple_of3A] : memref<10242048xi32, #tpu.memory_space<hbm>> -> memref<8xi32, #tpu.memory_space<hbm>>
        %dma_start3A_93 = tpu.memref_slice %arg8[%multiple_of3A_90] : memref<2080xi32, #tpu.memory_space<vmem>> -> memref<8xi32, #tpu.memory_space<vmem>>
        tpu.enqueue_dma source(%dma_start3A_93 : memref<8xi32, #tpu.memory_space<vmem>>) target(%dma_start3A_92 : memref<8xi32, #tpu.memory_space<hbm>>) target_semaphore(%run_scoped3A : memref<!tpu.dma_semaphore, #tpu.memory_space<semaphore_mem>>)
        %dma_wait3A = tpu.memref_slice %arg8[%multiple_of3A_90] : memref<2080xi32, #tpu.memory_space<vmem>> -> memref<8xi32, #tpu.memory_space<vmem>>
        %dma_wait3A_94 = tpu.memref_slice %arg4[%multiple_of3A] : memref<10242048xi32, #tpu.memory_space<hbm>> -> memref<8xi32, #tpu.memory_space<hbm>>
        %dma_wait3A_95 = tpu.memref_slice %arg4[%multiple_of3A] : memref<10242048xi32, #tpu.memory_space<hbm>> -> memref<8xi32, #tpu.memory_space<hbm>>
        %dma_wait3A_96 = tpu.memref_slice %arg8[%multiple_of3A_90] : memref<2080xi32, #tpu.memory_space<vmem>> -> memref<8xi32, #tpu.memory_space<vmem>>
        tpu.wait_dma2 semaphore(%run_scoped3A : memref<!tpu.dma_semaphore, #tpu.memory_space<semaphore_mem>>) src(%dma_wait3A_96 : memref<8xi32, #tpu.memory_space<vmem>>) dst(%dma_wait3A_95 : memref<8xi32, #tpu.memory_space<hbm>>)
        tpu.yield
      }) : () -> ()
    }
    %while3A_70 = arith.constant 1 : i32
    scf.for %while3A_78 = %while3A_68 to %while3A_64 step %while3A_70  : i32 {
      %mul3A_79 = arith.constant 320000 : i32
      %mul3A_80 = arith.muli %add3A, %mul3A_79 : i32
      %add3A_81 = arith.addi %mul3A_80, %scan3A_8#1 : i32
      %mul3A_82 = arith.constant 8 : i32
      %mul3A_83 = arith.muli %mul3A_82, %while3A_78 : i32
      %add3A_84 = arith.addi %add3A_81, %mul3A_83 : i32
      %multiple_of3A = tpu.assume_multiple %add3A_84, 8 : i32
      %mul3A_85 = arith.constant 8 : i32
      %mul3A_86 = arith.muli %mul3A_85, %while3A_78 : i32
      %multiple_of3A_87 = tpu.assume_multiple %mul3A_86, 8 : i32
      "tpu.region"() ({
        %run_scoped3A = tpu.sem_alloc : memref<!tpu.dma_semaphore, #tpu.memory_space<semaphore_mem>>
        %dma_start3A = tpu.memref_slice %arg7[%multiple_of3A_87] : memref<2080xi32, #tpu.memory_space<vmem>> -> memref<8xi32, #tpu.memory_space<vmem>>
        %dma_start3A_91 = tpu.memref_slice %arg3[%multiple_of3A] : memref<10242048xi32, #tpu.memory_space<hbm>> -> memref<8xi32, #tpu.memory_space<hbm>>
        %dma_start3A_92 = tpu.memref_slice %arg3[%multiple_of3A] : memref<10242048xi32, #tpu.memory_space<hbm>> -> memref<8xi32, #tpu.memory_space<hbm>>
        %dma_start3A_93 = tpu.memref_slice %arg7[%multiple_of3A_87] : memref<2080xi32, #tpu.memory_space<vmem>> -> memref<8xi32, #tpu.memory_space<vmem>>
        tpu.enqueue_dma source(%dma_start3A_93 : memref<8xi32, #tpu.memory_space<vmem>>) target(%dma_start3A_92 : memref<8xi32, #tpu.memory_space<hbm>>) target_semaphore(%run_scoped3A : memref<!tpu.dma_semaphore, #tpu.memory_space<semaphore_mem>>)
        %dma_wait3A = tpu.memref_slice %arg7[%multiple_of3A_87] : memref<2080xi32, #tpu.memory_space<vmem>> -> memref<8xi32, #tpu.memory_space<vmem>>
        %dma_wait3A_94 = tpu.memref_slice %arg3[%multiple_of3A] : memref<10242048xi32, #tpu.memory_space<hbm>> -> memref<8xi32, #tpu.memory_space<hbm>>
        %dma_wait3A_95 = tpu.memref_slice %arg3[%multiple_of3A] : memref<10242048xi32, #tpu.memory_space<hbm>> -> memref<8xi32, #tpu.memory_space<hbm>>
        %dma_wait3A_96 = tpu.memref_slice %arg7[%multiple_of3A_87] : memref<2080xi32, #tpu.memory_space<vmem>> -> memref<8xi32, #tpu.memory_space<vmem>>
        tpu.wait_dma2 semaphore(%run_scoped3A : memref<!tpu.dma_semaphore, #tpu.memory_space<semaphore_mem>>) src(%dma_wait3A_96 : memref<8xi32, #tpu.memory_space<vmem>>) dst(%dma_wait3A_95 : memref<8xi32, #tpu.memory_space<hbm>>)
        tpu.yield
      }) : () -> ()
      %mul3A_88 = arith.constant 8 : i32
      %mul3A_89 = arith.muli %mul3A_88, %while3A_78 : i32
      %multiple_of3A_90 = tpu.assume_multiple %mul3A_89, 8 : i32
      "tpu.region"() ({
        %run_scoped3A = tpu.sem_alloc : memref<!tpu.dma_semaphore, #tpu.memory_space<semaphore_mem>>
        %dma_start3A = tpu.memref_slice %arg8[%multiple_of3A_90] : memref<2080xi32, #tpu.memory_space<vmem>> -> memref<8xi32, #tpu.memory_space<vmem>>
        %dma_start3A_91 = tpu.memref_slice %arg4[%multiple_of3A] : memref<10242048xi32, #tpu.memory_space<hbm>> -> memref<8xi32, #tpu.memory_space<hbm>>
        %dma_start3A_92 = tpu.memref_slice %arg4[%multiple_of3A] : memref<10242048xi32, #tpu.memory_space<hbm>> -> memref<8xi32, #tpu.memory_space<hbm>>
        %dma_start3A_93 = tpu.memref_slice %arg8[%multiple_of3A_90] : memref<2080xi32, #tpu.memory_space<vmem>> -> memref<8xi32, #tpu.memory_space<vmem>>
        tpu.enqueue_dma source(%dma_start3A_93 : memref<8xi32, #tpu.memory_space<vmem>>) target(%dma_start3A_92 : memref<8xi32, #tpu.memory_space<hbm>>) target_semaphore(%run_scoped3A : memref<!tpu.dma_semaphore, #tpu.memory_space<semaphore_mem>>)
        %dma_wait3A = tpu.memref_slice %arg8[%multiple_of3A_90] : memref<2080xi32, #tpu.memory_space<vmem>> -> memref<8xi32, #tpu.memory_space<vmem>>
        %dma_wait3A_94 = tpu.memref_slice %arg4[%multiple_of3A] : memref<10242048xi32, #tpu.memory_space<hbm>> -> memref<8xi32, #tpu.memory_space<hbm>>
        %dma_wait3A_95 = tpu.memref_slice %arg4[%multiple_of3A] : memref<10242048xi32, #tpu.memory_space<hbm>> -> memref<8xi32, #tpu.memory_space<hbm>>
        %dma_wait3A_96 = tpu.memref_slice %arg8[%multiple_of3A_90] : memref<2080xi32, #tpu.memory_space<vmem>> -> memref<8xi32, #tpu.memory_space<vmem>>
        tpu.wait_dma2 semaphore(%run_scoped3A : memref<!tpu.dma_semaphore, #tpu.memory_space<semaphore_mem>>) src(%dma_wait3A_96 : memref<8xi32, #tpu.memory_space<vmem>>) dst(%dma_wait3A_95 : memref<8xi32, #tpu.memory_space<hbm>>)
        tpu.yield
      }) : () -> ()
    }
    %broadcast_in_dim3A_71 = arith.constant 0 : i32
    %broadcast_in_dim3A_72 = vector.broadcast %broadcast_in_dim3A_71 : i32 to vector<16xi32>
    %add3A_73 = arith.addi %scan3A_8#1, %mul3A_37 : i32
    %add3A_74 = vector.broadcast %add3A_73 : i32 to vector<16xi32>
    %add3A_75 = arith.addi %broadcast_in_dim3A_72, %add3A_74 : vector<16xi32>
    %swap3A_76 = arith.constant 0 : index
    %swap3A_77 = tpu.vector_load %arg9[%swap3A_76] {strides = array<i32>} : memref<16xi32, #tpu.memory_space<vmem>>, vector<16xi32>,
    tpu.vector_store %arg9[%swap3A_76], %add3A_75 {strides = array<i32>} : memref<16xi32, #tpu.memory_space<vmem>>, vector<16xi32>,
    "tpu.region"() ({
      %run_scoped3A = tpu.sem_alloc : memref<!tpu.dma_semaphore, #tpu.memory_space<semaphore_mem>>
      %dma_start3A = arith.constant 0 : i32
      %dma_start3A_78 = tpu.memref_slice %arg5[%add3A, %dma_start3A] : memref<32x16xi32, #tpu.memory_space<hbm>> -> memref<1x16xi32, #tpu.memory_space<hbm>>
      %dma_start3A_79 = tpu.memref_squeeze %dma_start3A_78 : memref<1x16xi32, #tpu.memory_space<hbm>> -> memref<16xi32, #tpu.memory_space<hbm>>
      %dma_start3A_80 = arith.constant 0 : i32
      %dma_start3A_81 = tpu.memref_slice %arg5[%add3A, %dma_start3A_80] : memref<32x16xi32, #tpu.memory_space<hbm>> -> memref<1x16xi32, #tpu.memory_space<hbm>>
      %dma_start3A_82 = tpu.memref_squeeze %dma_start3A_81 : memref<1x16xi32, #tpu.memory_space<hbm>> -> memref<16xi32, #tpu.memory_space<hbm>>
      tpu.enqueue_dma source(%arg9 : memref<16xi32, #tpu.memory_space<vmem>>) target(%dma_start3A_82 : memref<16xi32, #tpu.memory_space<hbm>>) target_semaphore(%run_scoped3A : memref<!tpu.dma_semaphore, #tpu.memory_space<semaphore_mem>>)
      %dma_wait3A = arith.constant 0 : i32
      %dma_wait3A_83 = tpu.memref_slice %arg5[%add3A, %dma_wait3A] : memref<32x16xi32, #tpu.memory_space<hbm>> -> memref<1x16xi32, #tpu.memory_space<hbm>>
      %dma_wait3A_84 = tpu.memref_squeeze %dma_wait3A_83 : memref<1x16xi32, #tpu.memory_space<hbm>> -> memref<16xi32, #tpu.memory_space<hbm>>
      %dma_wait3A_85 = arith.constant 0 : i32
      %dma_wait3A_86 = tpu.memref_slice %arg5[%add3A, %dma_wait3A_85] : memref<32x16xi32, #tpu.memory_space<hbm>> -> memref<1x16xi32, #tpu.memory_space<hbm>>
      %dma_wait3A_87 = tpu.memref_squeeze %dma_wait3A_86 : memref<1x16xi32, #tpu.memory_space<hbm>> -> memref<16xi32, #tpu.memory_space<hbm>>
      tpu.wait_dma2 semaphore(%run_scoped3A : memref<!tpu.dma_semaphore, #tpu.memory_space<semaphore_mem>>) src(%arg9 : memref<16xi32, #tpu.memory_space<vmem>>) dst(%dma_wait3A_87 : memref<16xi32, #tpu.memory_space<hbm>>)
      tpu.yield
    }) : () -> ()
    return
  }
}

</mosaic_0001>

<sc_bundles>
// kernel: _sc_bucket_build.3.cloned.1.call-start
scs
__scs_entry_jumppad:
0x0: {  	(pc) =	sbr.rel $0x88, $3  }
0x1: {  	(tag) =	ssettag $0x0;
	lr =	simm.s32 $0x1  }
0x2: {  	[smem:$0x3FA0] =	sst lr;
	_ =	strace $0xD0000000  }
0x3: {  	_ = 	snop  }
0x4: {  	_ = 	snop  }
0x5: {  	_ = 	snop  }
0x6: {  	_ = 	snop  }
0x7: {  	_ = 	snop  }
__scs_overlays_trampoline_lowered:
0x8: {  	[smem:$0x3FAF] =	sst s0  }
0x9: {  	[smem:$0x3FB0] =	sst s1  }
0xa: {  	[smem:$0x3FB1] =	sst s2  }
0xb: {  	[smem:$0x3FB2] =	sst s3  }
0xc: {  	[smem:$0x3FB3] =	sst s4  }
0xd: {  	[smem:$0x3FB4] =	sst s5  }
0xe: {  	[smem:$0x3FB5] =	sst s6  }
0xf: {  	[smem:$0x3FB6] =	sst s7  }
0x10: {  	[smem:$0x3FB7] =	sst s8  }
0x11: {  	[smem:$0x3FB8] =	sst s9;
	s0 =	simm.s32 @!p0 $0x0  }
0x12: {  	s1 =	sld [smem:$0x3F9E];
	s0 =	simm.s32 @p0 $0x1  }
0x13: {  	[smem:$0x3FB9] =	sst s0;
	s0 =	simm.s32 @!p1 $0x0  }
0x14: {  	s2 =	sld [smem:$0x3F9D];
	s0 =	simm.s32 @p1 $0x1  }
0x15: {  	[smem:$0x3FBA] =	sst s0;
	s0 =	simm.s32 @!p2 $0x0  }
0x16: {  	s3 =	sld [smem:$0x3FDB];
	s0 =	simm.s32 @p2 $0x1  }
0x17: {  	s4 =	simm.s32 $0x1BF5;
	[smem:$0x3FBC] =	sst s0  }
0x18: {  	s0 =	sld [smem:$0x3F9F];
	_ =	swait.ge [sflag:s4], $0x0  }
0x19: {  	s7 =	sld [smem:$0x3FA0]  }
0x1a: {  	s8 =	sadd.s32 $0xFFFFE003, lr  }
0x1b: {  	s9 =	sadd.s32 $0xFFFFFEF7, lr;
	s5 =	simm.s32 $0xFFFFFFFF;
	p2 =	slt.u32 s8, $0xFFFFF086  }
0x1c: {  	p1 =	slt.u32 s9, $0xF7A;
	s5 =	simm.s32 @!p2 $0x0  }
0x1d: {  	s5 =	simm.s32 @p1 $0x1;
	p0 =	seq.s32 s7, s2  }
0x1e: {  	s7 =	smul.u32 @!p0 $0xF7A, s2;
	p2 =	seq.s32 @!p0 s5, $0x0  }
0x1f: {  	s9 =	smul.u32 $0xF7A, s1;
	s8 =	simm.s32 @!p0 $0x1BF5;
	p2 =	por !p2, p0  }
0x20: {  	[sflag:s8] =	ssyncset.s32 @!p0 $0xFFFFF086;
	s6 =	sadd.s32 @!p0 s3, s7;
	s7 =	simm.s32 @!p0 $0x108  }
0x21: {  	s3 =	sadd.s32 s3, s9;
	s6 =	sadd.s32 @!p0 $0x88, s6;
	s7 =	simm.s32 @p2 $0x1082  }
0x22: {  	[simem:s7], [sflag:s8] =	dma.local @!p0 [hbm:s6], $0xF7A  }
0x23: {  	s9 =	sor.u32 $0xD0000000, s2;
	s6 =	simm.s32 $0x108;
	_ =	swait.ge @!p0 [sflag:s8], $0x0  }
0x24: {  	s3 =	sadd.s32 $0x88, s3;
	s6 =	simm.s32 @!p1 $0x1082;
	[sflag:s4] =	ssyncset.s32 $0xFFFFF086  }
0x25: {  	[simem:s6], [sflag:s4] =	dma.local [hbm:s3], $0xF7A  }
0x26: {  	[smem:$0x3FA0] =	sst s1;
	(tag) =	ssettag s2;
	_ =	strace s9  }
0x27: {  	s1 =	sld [smem:$0x3FB0]  }
0x28: {  	s2 =	sld [smem:$0x3FB1]  }
0x29: {  	s4 =	sld [smem:$0x3FB3]  }
0x2a: {  	p0 =	seq.s32 s5, $0x0;
	s5 =	sld [smem:$0x3FB4]  }
0x2b: {  	s6 =	sld [smem:$0x3FB5]  }
0x2c: {  	s7 =	sld [smem:$0x3FB6]  }
0x2d: {  	s3 =	simm.s32 $0x108;
	s8 =	sld [smem:$0x3FB7]  }
0x2e: {  	s3 =	simm.s32 @!p0 $0x1082;
	s9 =	sld [smem:$0x3FB8]  }
0x2f: {  	lr =	sadd.s32 s0, s3;
	s0 =	sld [smem:$0x3FAF]  }
0x30: {  	s3 =	sld [smem:$0x3FB2]  }
0x31: {  	[smem:$0x3FBB] =	sst s10  }
0x32: {  	s10 =	sld [smem:$0x3FB9];
	_ =	sdelay $0x3  }
0x33: {  	p0 =	seq.s32 s10, $0x1;
	s10 =	sld [smem:$0x3FBB];
	_ =	sdelay $0x3  }
0x34: {  	[smem:$0x3FBB] =	sst s10  }
0x35: {  	s10 =	sld [smem:$0x3FBA];
	_ =	sdelay $0x3  }
0x36: {  	p1 =	seq.s32 s10, $0x1;
	s10 =	sld [smem:$0x3FBB];
	_ =	sdelay $0x3  }
0x37: {  	[smem:$0x3FBB] =	sst s10  }
0x38: {  	s10 =	sld [smem:$0x3FBC]  }
0x39: {  	_ = 	snop;
	(pc) =	sbr.ind lr, $3  }
0x3a: {  	_ = 	snop  }
0x3b: {  	_ = 	snop  }
0x3c: {  	p2 =	seq.s32 s10, $0x1;
	s10 =	sld [smem:$0x3FBB]  }
0x3d: {  	_ =	shalt  }
0x3e: {  	_ =	shalt  }
0x3f: {  	_ =	shalt  }
0x40: {  	_ =	shalt  }
0x41: {  	_ =	shalt  }
0x42: {  	_ =	shalt  }
0x43: {  	_ =	shalt  }
0x44: {  	_ =	shalt  }
0x45: {  	_ =	shalt  }
0x46: {  	_ =	shalt  }
0x47: {  	_ =	shalt  }
0x48: {  	_ =	shalt  }
0x49: {  	_ =	shalt  }
0x4a: {  	_ =	shalt  }
0x4b: {  	_ =	shalt  }
0x4c: {  	_ =	shalt  }
0x4d: {  	_ =	shalt  }
0x4e: {  	_ =	shalt  }
0x4f: {  	_ =	shalt  }
0x50: {  	_ =	shalt  }
0x51: {  	_ =	shalt  }
0x52: {  	_ =	shalt  }
0x53: {  	_ =	shalt  }
0x54: {  	_ =	shalt  }
0x55: {  	_ =	shalt  }
0x56: {  	_ =	shalt  }
0x57: {  	_ =	shalt  }
0x58: {  	_ =	shalt  }
0x59: {  	_ =	shalt  }
0x5a: {  	_ =	shalt  }
0x5b: {  	_ =	shalt  }
0x5c: {  	_ =	shalt  }
0x5d: {  	_ =	shalt  }
0x5e: {  	_ =	shalt  }
0x5f: {  	_ =	shalt  }
0x60: {  	_ =	shalt  }
0x61: {  	_ =	shalt  }
0x62: {  	_ =	shalt  }
0x63: {  	_ =	shalt  }
0x64: {  	_ =	shalt  }
0x65: {  	_ =	shalt  }
0x66: {  	_ =	shalt  }
0x67: {  	_ =	shalt  }
0x68: {  	_ =	shalt  }
0x69: {  	_ =	shalt  }
0x6a: {  	_ =	shalt  }
0x6b: {  	_ =	shalt  }
0x6c: {  	_ =	shalt  }
0x6d: {  	_ =	shalt  }
0x6e: {  	_ =	shalt  }
0x6f: {  	_ =	shalt  }
0x70: {  	_ =	shalt  }
0x71: {  	_ =	shalt  }
0x72: {  	_ =	shalt  }
0x73: {  	_ =	shalt  }
0x74: {  	_ =	shalt  }
0x75: {  	_ =	shalt  }
0x76: {  	_ =	shalt  }
0x77: {  	_ =	shalt  }
0x78: {  	_ =	shalt  }
0x79: {  	_ =	shalt  }
0x7a: {  	_ =	shalt  }
0x7b: {  	_ =	shalt  }
0x7c: {  	_ =	shalt  }
0x7d: {  	_ =	shalt  }
0x7e: {  	_ =	shalt  }
0x7f: {  	_ =	shalt  }
0x80: {  	_ =	shalt  }
0x81: {  	_ =	shalt  }
0x82: {  	_ =	shalt  }
0x83: {  	_ =	shalt  }
0x84: {  	_ =	shalt  }
0x85: {  	_ =	shalt  }
0x86: {  	_ =	shalt  }
0x87: {  	_ =	shalt  }
.Lfunc_end0:
.L_simem_size_0:
called_computation_lowered:
.L_overlay_start_0:
0x88: {  	s2 =	sld [smem:$0x3FD9]  }
0x89: {  	s3 =	sld [smem:$0x3FFE];
	_ =	sdelay $0x1  }
0x8a: {  	s1 =	srdreg.scid  }
0x8b: {  	s0 =	sand.u32 $0x1, s1  }
0x8c: {  	s15 =	sshll.u32 s0, $0xA;
	s2 =	sadd.s32 s3, s2  }
0x8d: {  	s2 =	sadd.s32 s2, s15  }
0x8e: {  	[smem:$0x3FC7] =	sst s2  }
0x8f: {  	_ = 	snop  }
0x90: {  	s2 =	sld [smem:$0x3FD0];
	_ =	sdelay $0x2  }
0x91: {  	s4 =	simm.s32 $0xA;
	s5 =	simm.s32 $0x10;
	s16 =	sld [smem:$0x3FC9]  }
0x92: {  	[smem:s5], [sflag:s4] =	dma.local [hbm:s2], $0x1  }
0x93: {  	_ =	swait.eq [sflag:s4], $0x1  }
0x94: {  	s17 =	sld [smem:$0x10];
	[sflag:s4] =	ssyncset.done $0x0  }
0x95: {  	s18 =	sld [smem:$0x11];
	[sflag:s4] =	ssyncadd.s32 $0xFFFFFFFF  }
0x96: {  	s19 =	sld [smem:$0x12];
	(tm) =	ssettm $0x1  }
0x97: {  	s6 =	sld [smem:$0x3FFB];
	_ =	sdelay $0x3  }
0x98: {  	_ =	strace s6  }
0x99: {  	s6 =	sld [smem:$0x3FFC];
	_ =	sdelay $0x3  }
0x9a: {  	_ =	strace s6  }
0x9b: {  	s6 =	sld [smem:$0x3FFD];
	_ =	sdelay $0x3  }
0x9c: {  	_ =	strace s6  }
0x9d: {  	_ =	strace $0x8FFFFFFF  }
0x9e: {  	s20 =	sld [smem:$0x3FDB];
	_ =	sdelay $0x1  }
0x9f: {  	s7 =	simm.s32 $_scs_section_size  }
0xa0: {  	s8 =	simm.s32 $_size__tile_overlayer_lowered;
	s9 =	simm.s32 $_tile_overlayer_lowered  }
0xa1: {  	s23 =	simm.s32 $0x1BFF;
	s22 =	sshll.u32 s9, $0x1;
	s6 =	sadd.s32 s7, s20  }
0xa2: {  	s10 =	simm.s32 $0x0;
	s21 =	sshll.u32 s8, $0x1;
	s8 =	sadd.s32 s22, s6  }
0xa3: {  	[timem:s10], [sflag:s23] =	dma.local [hbm:s8], s21  }
0xa4: {  	_ =	swait.ge [sflag:s23], s21  }
0xa5: {  	s7 =	ssub.s32 $0x0, s21;
	[sflag:s23] =	ssyncset.done $0x0  }
0xa6: {  	[sflag:s23] =	ssyncadd.s32 s7;
	_ =	sdelay $0x1  }
0xa7: {  	s24 =	simm.s32 $0x1B8B  }
0xa8: {  	_ =	swait.ge [sflag:s24], $0x1  }
0xa9: {  	[sflag:s24] =	ssyncset.done $0x0  }
0xaa: {  	s25 =	simm.s32 $0x1B8E;
	[sflag:s24] =	ssyncadd.s32 $0xFFFFFFFF  }
0xab: {  	s26 =	simm.s32 $execute0_lowered;
	[smem:$0x3FD2] =	sst s25  }
0xac: {  	s7 =	sshll.u32 s26, $0x1;
	_ =	strace $0x80000046;
	[dreg:$0x1] =	wrdreg $0xFFFFFFFF  }
0xad: {  	s28 =	simm.s32 $_size_execute0_lowered;
	s6 =	sadd.s32 s6, s7;
	[dreg:$0x0] =	wrdreg $0x0  }
0xae: {  	s7 =	sshll.u32 s28, $0x1;
	[dreg:$0x2] =	wrdreg s6  }
0xaf: {  	[dreg:$0x3] =	wrdreg s7  }
0xb0: {  	[dreg:$0x4] =	wrdreg $0xC0  }
0xb1: {  	_ =	task [dreg:s10], $0x5FFFF  }
0xb2: {  	[dreg:$0x1] =	wrdreg $0xFFFFFFFF  }
0xb3: {  	[dreg:$0x0] =	wrdreg $0x60  }
0xb4: {  	[dreg:$0x2] =	wrdreg s16  }
0xb5: {  	[dreg:$0x3] =	wrdreg s17  }
0xb6: {  	[dreg:$0x4] =	wrdreg s18  }
0xb7: {  	[dreg:$0x5] =	wrdreg s19  }
0xb8: {  	[dreg:$0x6] =	wrdreg $0x9  }
0xb9: {  	_ =	task.clear_ibuf [dreg:s10], $0x7FFFF;
	_ =	strace $0x90000046  }
0xba: {  	s29 =	simm.s32 $0x9;
	_ =	strace $0x80000048  }
0xbb: {  	_ =	swait.ge [sflag:s29], $0x1  }
0xbc: {  	[sflag:s29] =	ssyncadd.s32 $0xFFFFFFFF  }
0xbd: {  	_ =	strace $0x90000048  }
0xbe: {  	_ =	sfence  }
0xbf: {  	s30 =	sld [smem:$0x0];
	_ =	sdelay $0x2  }
0xc0: {  	s31 =	sshll.u32 s1, $0xD;
	s1 =	sshrl.u32 s1, $0x2  }
0xc1: {  	s3 =	sand.u32 $0x4000, s31;
	s1 =	sadd.s32 s1, s30  }
0xc2: {  	s0 =	sor.u32 s3, s0;
	s1 =	sshll.u32 s1, $0x11  }
0xc3: {  	s0 =	sor.u32 s1, s0  }
0xc4: {  	s0 =	sadd.s32 $0x8F2B, s0  }
0xc5: {  	[sflag:s0] =	ssyncadd.remote.s32 $0x1  }
0xc6: {  	_ =	sfence.sel $0xFFFF  }
0xc7: {  	[dreg:$0x0] =	wrdreg $0xFFFFFFFF;
	(pc) =	sbr.abs _section_cstart, $3  }
0xc8: {  	[dreg:$0x1] =	wrdreg $0xFFFFFFFF  }
0xc9: {  	_ =	task.clear_ibuf [dreg:s10], $0x2FFFF;
	_ =	strace $0x9FFFFFFF  }
0xca: {  	(tm) =	ssettm $0x7FFFFFFF  }
0xcb: {  	_ =	shalt  }
tec
execute0_lowered:
.L_overlay_start_1:
0x0: {  	(tag) =	ssettag $0x1  }
0x1: {  	s1 =	rddreg [dreg:$0x0]  }
0x2: {  	s3 =	rddreg [dreg:$0x1]  }
0x3: {  	s4 =	rddreg [dreg:$0x2]  }
0x4: {  	s7 =	rddreg [dreg:$0x3];
	s5 =	srdreg.scid  }
0x5: {  	s2 =	stileid.u32;
	s0 =	rddreg [dreg:$0x4]  }
0x6: {  	s6 =	sand.u32 $0x1, s5;
	s8 =	sshll.u32 s2, $0x1;
	s31 =	smul.u32 $0x9C400, s2  }
0x7: {  	s5 =	simm.s32 $0x0;
	s8 =	sor.u32 s6, s8;
	s14 =	smul.u32 $0x4E200, s6  }
0x8: {  	s9 =	ssub.s32 $0x2, s6;
	[smem:$0x7FF] =	sst s5;
	s11 =	smul.u32 $0x139, s8  }
.Ltmp0:
0x9: {  	s10 =	sshrl.u32 s9, $0x1;
	_ =	strace $0x80000047;
	(pc) =	sbr.rel .LBB2_1-.Ltmp0, $4  }
0xa: {  	s13 =	sshll.u32 s8, $0x1;
	s6 =	smul.u32 $0x4E200, s8;
	s9 =	ssub.s32 s9, s10  }
0xb: {  	s7 =	sadd.s32 s7, s13;
	s10 =	simm.s32 $0x1;
	s13 =	simm.s32 $0x1CC0  }
0xc: {  	v2 =	vlaneseq.u32;
	v3 =	vimm.s32 $0x0;
	s12 =	sadd.s32 $0x139, s11;
	s8 =	smax.u32 s9, $0x1;
	s9 =	sadd.s32 s14, s31  }
0xd: {  	v4 =	vimm.s32 $0x139;
	v0 =	vmov s11;
	s11 =	simm.s32 $0xC80;
	s14 =	simm.s32 $0x0;
	v1 =	vmov s12;
	s12 =	simm.s32 $0x14A0  }
.LBB2_7:
0xe: {  	s21 =	simm.s32 $0xC80  }
.LBB2_11:
0xf: {  	s20 =	sadd.s32 @p0 $0x8, s21  }
0x10: {  	s30 =	sadd.s32 s3, s19;
	[sflag:s10] =	ssyncadd.s32 @p0 $0xFFFFFFF8;
	s17 =	smov.u32 @p0 s20  }
0x11: {  	[hbm4b:s30+s5] =	stream.linear.scatter [tilespmem:s17], [sflag:$0x1], $0x8, $0x38;
	[tilespmem:$0x1CD0] =	vst v63  }
0x12: {  	_ =	swait.ge [sflag:s10], $0x8  }
0x13: {  	[sflag:s10] =	ssyncset.done $0x0  }
0x14: {  	s31 =	sadd.s32 s4, s19;
	[sflag:s10] =	ssyncadd.s32 $0xFFFFFFF8  }
0x15: {  	[hbm4b:s31+s5] =	stream.linear.scatter [tilespmem:s18], [sflag:$0x1], $0x8, $0x38;
	[tilespmem:$0x1CD0] =	vst v63  }
0x16: {  	_ =	swait.ge [sflag:s10], $0x8  }
0x17: {  	[sflag:s10] =	ssyncset.done $0x0  }
0x18: {  	[sflag:s10] =	ssyncadd.s32 $0xFFFFFFF8  }
.LBB2_12:
0x19: {  	s16 =	sshll.u32 s16, $0x4  }
0x1a: {  	s14 =	sadd.s32 $0x1, s14;
	s15 =	sadd.s32 s15, s16  }
0x1b: {  	p0 =	sne.s32 s14, s8;
	v5 =	vmov s15  }
.Ltmp1:
0x1c: {  	[tilespmem:$0x1CC0] =	vst v5;
	(pc) =	sbr.rel @!p0 .LBB2_13-.Ltmp1, $4  }
0x1d: {  	[hbm4b:s7+s5] =	stream.linear.scatter [tilespmem:s13], [sflag:$0x1], $0x10, $0x38;
	[tilespmem:$0x1CD0] =	vst v63  }
0x1e: {  	_ =	swait.ge [sflag:s10], $0x10  }
0x1f: {  	[sflag:s10] =	ssyncset.done $0x0  }
0x20: {  	[sflag:s10] =	ssyncadd.s32 $0xFFFFFFF0  }
.LBB2_1:
0x21: {  	s16 =	simm.s32 $0x0  }
0x22: {  	s15 =	simm.s32 $0x0;
	s18 =	simm.s32 $0x0;
	s17 =	simm.s32 $0x0  }
.LBB2_2:
0x23: {  	s19 =	smul.u32 $0xC80, s17;
	_ =	sdelay $0x1  }
0x24: {  	s19 =	sshrl.u32 s19, $0x3  }
0x25: {  	s20 =	simm.s32 $0x0;
	s19 =	sadd.s32 s1, s19  }
0x26: {  	[tilespmem:s20], [sflag:$0x1] =	stream.linear.gather [hbm4b:s19+s20], $0xC80, $0x38;
	[tilespmem:$0x1CD0] =	vst v63  }
0x27: {  	_ =	swait.ge [sflag:s10], $0xC80  }
0x28: {  	[sflag:s10] =	ssyncset.done $0x0  }
0x29: {  	s29 =	simm.s32 $0x0;
	[sflag:s10] =	ssyncadd.s32 $0xFFFFF380  }
0x2a: {  	v5 =	vld [tilespmem:s29+$0x0];
	_ =	sdelay $0x4  }
0x2b: {  	vm0 =	vge.s32 v5, v0;
	vm1 =	vlt.s32 v5, v1  }
0x2c: {  	vm0 =	vmand vm0, vm1  }
0x2d: {  	v6 =	vsel vm0, $0x1, v3  }
0x2e: {  	(xrf0) =	vadd.scan.msk.s32 $0xffff, v6;
	_ =	sdelay $0x5  }
0x2f: {  	v6, _, _ =	vpop (xrf0)  }
0x30: {  	v7 =	vxor.u32 $0x80000000, v6  }
0x31: {  	(xrf0) =	vmax.scan.msk.u32 $0xffff, v7;
	_ =	sdelay $0x5  }
0x32: {  	v7, _, _ =	vpop (xrf0)  }
0x33: {  	(v2sf) =	vpush v7, $0xF;
	_ =	sdelay $0xc  }
0x34: {  	v7 =	vsel vm0, $0xFFFFFFFF, v3  }
0x35: {  	v7 =	vadd.s32 s18, v7  }
0x36: {  	v6 =	vadd.s32 v6, v7;
	s30 =	spop (v2sf)  }
0x37: {  	s31 =	sadd.s32 s30, s18  }
0x38: {  	s20 =	sadd.s32 $0x80000000, s31  }
0x39: {  	p1 =	slt.s32 s20, $0x800  }
0x3a: {  	v7 =	vor.u32 s16, v2;
	s18 =	sadd.s32 @!p1 s6, s15  }
0x3b: {  	v5 =	vsub.s32 v5, v0;
	[tilespmem:v6+s11+$0x0] =	vst.idx.msk vm0, v7;
	s19 =	simm.s32 @!p1 $0x1;
	s18 =	sshrl.u32 @!p1 s18, $0x3  }
0x3c: {  	[tilespmem:v6+s12+$0x0] =	vst.idx.msk vm0, v5;
	s22 =	simm.s32 @!p1 $0x0;
	s23 =	simm.s32 @!p1 $0xC80;
	s21 =	sadd.s32 @!p1 s3, s18  }
0x3d: {  	[hbm4b:s21+s22] =	stream.linear.scatter @!p1 [tilespmem:s23], [sflag:$0x1], $0x800, $0x38;
	[tilespmem:$0x1CD0] =	vst v63  }
0x3e: {  	_ =	swait.ge @!p1 [sflag:s19], $0x800  }
0x3f: {  	[sflag:s19] =	ssyncset.done @!p1 $0x0  }
0x40: {  	s18 =	sadd.s32 @!p1 s4, s18;
	s21 =	simm.s32 @!p1 $0x14A0;
	[sflag:s19] =	ssyncadd.s32 @!p1 $0xFFFFF800  }
0x41: {  	[hbm4b:s18+s22] =	stream.linear.scatter @!p1 [tilespmem:s21], [sflag:$0x1], $0x800, $0x38;
	[tilespmem:$0x1CD0] =	vst v63  }
0x42: {  	_ =	swait.ge @!p1 [sflag:s19], $0x800  }
0x43: {  	[sflag:s19] =	ssyncset.done @!p1 $0x0  }
0x44: {  	s21 =	sadd.s32 @!p1 $0x800, s15;
	s18 =	sadd.s32 @!p1 $0xFFFFF800, s20;
	[sflag:s19] =	ssyncadd.s32 @!p1 $0xFFFFF800  }
0x45: {  	s21 =	smov.u32 @p1 s15;
	s18 =	smov.u32 @p1 s20;
	v6 =	vld @!p1 [tilespmem:$0x1480]  }
0x46: {  	s20 =	smov.u32 s16;
	s15 =	smov.u32 s21;
	s19 =	simm.s32 $0x40;
	v5 =	vld @!p1 [tilespmem:$0x1CA0]  }
.LBB2_3:
0x47: {  	_ =	sdelay $0x1  }
0x48: {  	s21 =	smov.u32 s15  }
0x49: {  	s20 =	sadd.s32 $0x10, s20;
	s15 =	smov.u32 s19;
	s19 =	sadd.s32 $0x40, s19;
	[tilespmem:$0xC80] =	vst @!p1 v6  }
0x4a: {  	s15 =	sshra.s32 s15, $0x2;
	p0 =	sne.s32 s19, $0x3200;
	[tilespmem:$0x14A0] =	vst @!p1 v5  }
0x4b: {  	v5 =	vld [tilespmem:s15+$0x0];
	_ =	sdelay $0x4  }
0x4c: {  	vm0 =	vge.s32 v5, v0;
	vm1 =	vlt.s32 v5, v1  }
0x4d: {  	vm0 =	vmand vm0, vm1  }
0x4e: {  	v6 =	vsel vm0, $0xFFFFFFFF, v3;
	v7 =	vsel vm0, $0x1, v3  }
0x4f: {  	(xrf0) =	vadd.scan.msk.s32 $0xffff, v7;
	_ =	sdelay $0x5  }
0x50: {  	v6 =	vadd.s32 s18, v6;
	v7, _, _ =	vpop (xrf0)  }
0x51: {  	v6 =	vadd.s32 v7, v6;
	v7 =	vxor.u32 $0x80000000, v7  }
0x52: {  	(xrf0) =	vmax.scan.msk.u32 $0xffff, v7;
	_ =	sdelay $0x2  }
0x53: {  	v7 =	vor.u32 s20, v2  }
0x54: {  	[tilespmem:v6+s11+$0x0] =	vst.idx.msk vm0, v7;
	v7 =	vsub.s32 v5, v0  }
0x55: {  	[tilespmem:v6+s12+$0x0] =	vst.idx.msk vm0, v7  }
0x56: {  	v5, _, _ =	vpop (xrf0)  }
0x57: {  	(v2sf) =	vpush v5, $0xF;
	_ =	sdelay $0xe  }
0x58: {  	s15 =	spop (v2sf)  }
0x59: {  	s15 =	sadd.s32 s15, s18  }
0x5a: {  	s22 =	sadd.s32 $0x80000000, s15  }
0x5b: {  	p1 =	slt.s32 s22, $0x800  }
0x5c: {  	s23 =	sadd.s32 @!p1 s6, s21;
	s18 =	sadd.s32 @!p1 $0xFFFFF800, s22;
	s15 =	sadd.s32 @!p1 $0x800, s21  }
0x5d: {  	s24 =	simm.s32 @!p1 $0x1;
	s23 =	sshrl.u32 @!p1 s23, $0x3;
	s18 =	smov.u32 @p1 s22  }
0x5e: {  	s25 =	simm.s32 @!p1 $0x0;
	s26 =	simm.s32 @!p1 $0xC80;
	s22 =	sadd.s32 @!p1 s3, s23  }
0x5f: {  	[hbm4b:s22+s25] =	stream.linear.scatter @!p1 [tilespmem:s26], [sflag:$0x1], $0x800, $0x38;
	[tilespmem:$0x1CD0] =	vst v63  }
0x60: {  	s15 =	smov.u32 @p1 s21;
	s22 =	sadd.s32 @!p1 s4, s23;
	_ =	swait.ge @!p1 [sflag:s24], $0x800  }
0x61: {  	[sflag:s24] =	ssyncset.done @!p1 $0x0  }
0x62: {  	s21 =	simm.s32 @!p1 $0x14A0;
	[sflag:s24] =	ssyncadd.s32 @!p1 $0xFFFFF800  }
0x63: {  	[hbm4b:s22+s25] =	stream.linear.scatter @!p1 [tilespmem:s21], [sflag:$0x1], $0x800, $0x38;
	[tilespmem:$0x1CD0] =	vst v63  }
.Ltmp2:
0x64: {  	_ =	swait.ge @!p1 [sflag:s24], $0x800;
	(pc) =	sbr.rel @p0 .LBB2_3-.Ltmp2, $4  }
0x65: {  	[sflag:s24] =	ssyncset.done @!p1 $0x0  }
0x66: {  	[sflag:s24] =	ssyncadd.s32 @!p1 $0xFFFFF800  }
0x67: {  	v6 =	vld @!p1 [tilespmem:$0x1480]  }
0x68: {  	v5 =	vld @!p1 [tilespmem:$0x1CA0]  }
0x69: {  	s17 =	sadd.s32 $0x1, s17  }
0x6a: {  	p0 =	sne.s32 s17, $0x64  }
.Ltmp3:
0x6b: {  	_ = 	snop;
	(pc) =	sbr.rel @p0 .LBB2_2-.Ltmp3, $3  }
0x6c: {  	_ =	sdelay $0x1  }
0x6d: {  	[tilespmem:$0xC80] =	vst @!p1 v6  }
0x6e: {  	s16 =	sadd.s32 $0xC80, s16;
	[tilespmem:$0x14A0] =	vst @!p1 v5  }
0x6f: {  	s16 =	sadd.s32 $0xF, s18  }
0x70: {  	s17 =	sand.u32 $0xF, s16  }
0x71: {  	p1 =	slt.s32 s18, $0xFFFFFFF2;
	s31 =	sshra.s32 s16, $0x1F;
	p0 =	sne.s32 s17, $0x0  }
0x72: {  	s17 =	sshrl.u32 s31, $0x1C;
	p0 =	por !p1, !p0  }
0x73: {  	s16 =	sadd.s32 s17, s16;
	s17 =	simm.s32 $0x1;
	p0 =	por !p0, !p0  }
0x74: {  	s16 =	sshra.s32 s16, $0x4;
	s17 =	simm.s32 @!p0 $0x0  }
0x75: {  	s16 =	ssub.s32 s16, s17  }
0x76: {  	p0 =	slt.s32 s16, $0x1  }
.Ltmp4:
0x77: {  	_ = 	snop;
	(pc) =	sbr.rel @p0 .LBB2_12-.Ltmp4, $3  }
0x78: {  	_ =	sdelay $0x1  }
0x79: {  	[tilespmem:s18+$0xC80] =	vst v3  }
0x7a: {  	[tilespmem:s18+$0x14A0] =	vst v4  }
0x7b: {  	s19 =	sshll.u32 s16, $0x1  }
0x7c: {  	p1 =	sne.s32 s19, $0x1  }
.Ltmp5:
0x7d: {  	_ = 	snop;
	(pc) =	sbr.rel @!p1 .LBB2_7-.Ltmp5, $4  }
0x7e: {  	_ = 	snop  }
0x7f: {  	s17 =	sadd.s32 s15, s9  }
0x80: {  	s18 =	simm.s32 $0x14A0;
	p0 =	por $0x0, $0x0;
	s20 =	sshrl.u32 s17, $0x3  }
0x81: {  	s17 =	simm.s32 $0xC80;
	s21 =	sadd.s32 $0xFFFFFFFF, s19;
	s19 =	sand.u32 $0x1FFFFFFF, s20  }
0x82: {  	s22 =	sadd.s32 s3, s19  }
0x83: {  	[hbm4b:s22+s5] =	stream.linear.scatter [tilespmem:s17], [sflag:$0x1], $0x8, $0x38;
	[tilespmem:$0x1CD0] =	vst v63  }
0x84: {  	p1 =	sne.s32 s21, $0x1;
	_ =	swait.ge [sflag:s10], $0x8  }
.Ltmp6:
0x85: {  	s31 =	sadd.s32 s4, s19;
	[sflag:s10] =	ssyncset.done $0x0;
	(pc) =	sbr.rel @!p1 .LBB2_9-.Ltmp6, $4  }
0x86: {  	s20 =	sadd.s32 $0x1, s20;
	p0 =	por $0x1, $0x1;
	[sflag:s10] =	ssyncadd.s32 $0xFFFFFFF8  }
0x87: {  	[hbm4b:s31+s5] =	stream.linear.scatter [tilespmem:s18], [sflag:$0x1], $0x8, $0x38;
	[tilespmem:$0x1CD0] =	vst v63  }
0x88: {  	s22 =	sadd.s32 $0xFFFFFFFF, s21;
	s19 =	sand.u32 $0x1FFFFFFF, s20;
	_ =	swait.ge [sflag:s10], $0x8  }
0x89: {  	s21 =	simm.s32 $0xC80;
	s18 =	simm.s32 $0x14A8;
	[sflag:s10] =	ssyncset.done $0x0  }
.LBB2_10:
0x8a: {  	s23 =	sadd.s32 s3, s19;
	[sflag:s10] =	ssyncadd.s32 $0xFFFFFFF8;
	s21 =	sadd.s32 $0x8, s21  }
0x8b: {  	[hbm4b:s23+s5] =	stream.linear.scatter [tilespmem:s21], [sflag:$0x1], $0x8, $0x38;
	[tilespmem:$0x1CD0] =	vst v63  }
0x8c: {  	p1 =	sne.s32 s22, $0x1;
	s22 =	sadd.s32 $0xFFFFFFFF, s22;
	_ =	swait.ge [sflag:s10], $0x8  }
.Ltmp7:
0x8d: {  	[sflag:s10] =	ssyncset.done $0x0;
	(pc) =	sbr.rel @p1 .LBB2_10-.Ltmp7, $4  }
0x8e: {  	s19 =	sadd.s32 s4, s19;
	[sflag:s10] =	ssyncadd.s32 $0xFFFFFFF8  }
0x8f: {  	[hbm4b:s19+s5] =	stream.linear.scatter [tilespmem:s18], [sflag:$0x1], $0x8, $0x38;
	[tilespmem:$0x1CD0] =	vst v63  }
0x90: {  	s20 =	sadd.s32 $0x1, s20;
	_ =	swait.ge [sflag:s10], $0x8  }
0x91: {  	s19 =	sand.u32 $0x1FFFFFFF, s20;
	s18 =	sadd.s32 $0x8, s18;
	[sflag:s10] =	ssyncset.done $0x0  }
.Ltmp8:
0x92: {  	_ = 	snop;
	(pc) =	sbr.rel .LBB2_11-.Ltmp8, $1  }
0x93: {  	_ =	sdelay $0x3  }
.LBB2_9:
.Ltmp9:
0x94: {  	(pc) =	sbr.rel .LBB2_11-.Ltmp9, $2  }
0x95: {  	_ =	sdelay $0x2  }
0x96: {  	s21 =	simm.s32 $0xC80  }
.LBB2_13:
0x97: {  	_ =	sfence.sel $0x180000  }
0x98: {  	[bflag:$0x0] =	sbarrier.arrive $0xFFFF  }
0x99: {  	p0 =	sne.s32 s2, $0x0;
	_ =	strace $0x90000047  }
0x9a: {  	s0 =	sadd.s32 @!p0 $0x100000, s0;
	[bflag:$0x2] =	sbarrier.arrive $0xFFFF  }
0x9b: {  	[sflag:s0] =	ssyncadd.tile.s32 @!p0 $0x1;
	_ =	shalt  }
.Lfunc_end2:
_tile_overlayer_lowered:
.L_overlay_start_2:
0x9c: {  	(tag) =	ssettag $0x2  }
0x9d: {  	s0 =	rddreg [dreg:$0x0];
	s2 =	stileid.u32  }
0x9e: {  	s1 =	rddreg [dreg:$0x1];
	p0 =	sne.s32 s2, $0x0  }
0x9f: {  	s3 =	rddreg [dreg:$0x2];
	[bflag:$0x3] =	sbarrier.arrive $0xFFFF;
	s2 =	simm.s32 @!p0 $0x1C01  }
0xa0: {  	[timem:s3], [sflag:s2] =	dma.local @!p0 [hbm:s0], s1  }
0xa1: {  	s0 =	simm.s32 @!p0 $0x1  }
0xa2: {  	_ =	swait.ge @!p0 [sflag:s0], s1  }
0xa3: {  	s1 =	ssub.s32 @!p0 $0x0, s1;
	[sflag:s0] =	ssyncset.done @!p0 $0x0  }
0xa4: {  	[sflag:s0] =	ssyncadd.s32 @!p0 s1  }
0xa5: {  	[bflag:$0x3] =	sbarrier.arrive $0xFFFF  }
0xa6: {  	_ =	shalt  }

</sc_bundles>
